<compile_context>
chip_gen: v7x
topology: tpu7x:2x2x1
jax: 0.10.2.dev20260603
libtpu: 0.0.44.dev20260713+nightly
codegen_flags: <defaults>
</compile_context>

<pallas_src>
import functools

import jax
import jax.numpy as jnp
from jax import lax
from jax.experimental import pallas as pl
from jax.experimental.pallas import tpu as pltpu
from jax.experimental.pallas import tpu_sc as plsc

N_E = 1024
E_DIM = 256
HW = 1024
B = 8
ROWS = B * HW

NC = 2
NS = 16
NW = NC * NS
RPW = ROWS // NW
RG = 32
NG = RPW // RG


def _vq_body(z_ref, e_ref, es_ref, zq_ref, idx_ref):
    zb = z_ref[0]
    emb = e_ref[...]
    e_sq = es_ref[...]
    zzT = jnp.transpose(zb * zb)
    z_sq = jnp.transpose(jnp.sum(zzT, axis=1)[:, None])
    mm = jnp.dot(emb, zb, preferred_element_type=jnp.float32)
    scores = (z_sq + e_sq) - 2.0 * mm
    m = jnp.min(scores, axis=0, keepdims=True)
    row_iota = jax.lax.broadcasted_iota(jnp.int32, scores.shape, 0)
    idx = jnp.min(jnp.where(scores == m, row_iota, N_E), axis=0)
    idx_ref[0, 0] = idx
    col_iota = jax.lax.broadcasted_iota(jnp.int32, (HW, N_E), 1)
    onehot = (col_iota == idx[:, None]).astype(jnp.float32)
    zq_ref[0] = jax.lax.dot_general(
        emb, onehot, (((0,), (1,)), ((), ())),
        preferred_element_type=jnp.float32)


@functools.partial(
    pl.kernel,
    out_type=jax.ShapeDtypeStruct((ROWS, N_E), jnp.float32),
    mesh=plsc.VectorSubcoreMesh(core_axis_name="c", subcore_axis_name="s"),
    scratch_types=[
        pltpu.VMEM((RPW,), jnp.int32),
        pltpu.VMEM((RG, N_E), jnp.float32),
    ],
    compiler_params=pltpu.CompilerParams(needs_layout_passes=False),
)
def _sc_onehot(idx_hbm, zrow_hbm, enc_hbm, idx_v, buf_v):
    wid = lax.axis_index("s") * NC + lax.axis_index("c")
    base = wid * RPW
    pltpu.sync_copy(idx_hbm.at[pl.ds(base, RPW)], idx_v)
    pltpu.sync_copy(zrow_hbm, buf_v)
    ones = jnp.full((16,), 1.0, jnp.float32)
    zeros = jnp.zeros((16,), jnp.float32)
    lane = lax.iota(jnp.int32, 16)

    def group(g, carry):
        def patch(j, val):
            rows = lane + j * 16
            cols = idx_v[pl.ds(g * RG + j * 16, 16)]
            plsc.store_scatter(buf_v, [rows, cols], val)
            return val

        lax.fori_loop(0, RG // 16, patch, ones)
        pltpu.sync_copy(buf_v, enc_hbm.at[pl.ds(base + g * RG, RG)])
        lax.fori_loop(0, RG // 16, patch, zeros)
        return carry

    lax.fori_loop(0, NG, group, 0)


@jax.jit
def kernel(z, embedding):
    z3 = z.reshape(B, E_DIM, HW)
    e_sq = jnp.sum(embedding ** 2, axis=1)[:, None]
    zq, idx = pl.pallas_call(
        _vq_body,
        grid=(B,),
        in_specs=[
            pl.BlockSpec((1, E_DIM, HW), lambda b: (b, 0, 0)),
            pl.BlockSpec((N_E, E_DIM), lambda b: (0, 0)),
            pl.BlockSpec((N_E, 1), lambda b: (0, 0)),
        ],
        out_specs=[
            pl.BlockSpec((1, E_DIM, HW), lambda b: (b, 0, 0)),
            pl.BlockSpec((1, 1, HW), lambda b: (b, 0, 0)),
        ],
        out_shape=[
            jax.ShapeDtypeStruct((B, E_DIM, HW), jnp.float32),
            jax.ShapeDtypeStruct((B, 1, HW), jnp.int32),
        ],
    )(z3, embedding, e_sq)
    idx_flat = idx.reshape(ROWS)
    enc = _sc_onehot(idx_flat, jnp.zeros((RG, N_E), jnp.float32))
    z_q = zq.reshape(B, E_DIM, 32, 32)
    return (z_q, (enc, idx_flat.reshape(ROWS, 1)))

# --- scband reference (transcript-rebuilt; emitter-appended) ---
"""Pipeline reference for scband-vector-quantizer-10986526343950 (READ-ONLY COPY).

The authoritative reference and input builder live on the scoring server;
editing this copy changes nothing except your own understanding.
"""

import jax, jax.numpy as jnp
import numpy as np

N_E = 1024
E_DIM = 256

def setup_inputs(seed: int = 0) -> dict:
    key = jax.random.key(seed)
    k1, k2 = jax.random.split(key)
    z = jax.random.normal(k1, (8, 256, 32, 32), dtype=jnp.float32)
    embedding = jax.random.uniform(k2, (N_E, E_DIM), dtype=jnp.float32, minval=-1.0 / N_E, maxval=1.0 / N_E)
    return {"z": z, "embedding": embedding}

def reference(z, embedding):
    # z: [B, C, H, W] -> [B, H, W, C]
    zp = jnp.transpose(z, (0, 2, 3, 1))
    z_flattened = zp.reshape(-1, E_DIM)
    d = (jnp.sum(z_flattened ** 2, axis=1, keepdims=True)
         + jnp.sum(embedding ** 2, axis=1)
         - 2.0 * jnp.matmul(z_flattened, embedding.T))
    min_encoding_indices = jnp.argmin(d, axis=1)[:, None]
    min_encodings = jnp.zeros((min_encoding_indices.shape[0], N_E), dtype=zp.dtype)
    min_encodings = min_encodings.at[jnp.arange(min_encoding_indices.shape[0]), min_encoding_indices[:, 0]].set(1.0)
    z_q = jnp.matmul(min_encodings, embedding).reshape(zp.shape)
    z_q = jnp.transpose(z_q, (0, 3, 1, 2))
    return (z_q, (min_encodings, min_encoding_indices))

if __name__ == "__main__":
    import jax
    _d = setup_inputs()
    print(jax.jit(kernel)(*tuple(_d.values())))

</pallas_src>

<mosaic_0001>
#map = affine_map<(d0, d1) -> (0)>
#map1 = affine_map<(d0, d1) -> (0, 0)>
module attributes {stable_mosaic.version = 14 : i64} {
  func.func @_sc_onehot(%arg0: i32, %arg1: i32, %arg2: memref<8192xi32, #tpu.memory_space<hbm>>, %arg3: memref<32x1024xf32, #tpu.memory_space<hbm>>, %arg4: memref<8192x1024xf32, #tpu.memory_space<hbm>>, %arg5: memref<256xi32, #tpu.memory_space<vmem>>, %arg6: memref<32x1024xf32, #tpu.memory_space<vmem>>) attributes {dimension_semantics = [#tpu.dimension_semantics<core_parallel>, #tpu.dimension_semantics<subcore_parallel>], iteration_bounds = array<i64: 2, 16>, scalar_prefetch = 0 : i64, scratch_operands = 2 : i64, tpu.core_type = #tpu.core_type<sc_vector_subcore>, window_params = [{transform_indices = #map}, {transform_indices = #map1}, {transform_indices = #map1}]} {
    %mul3A = arith.constant 2 : i32
    %mul3A_0 = arith.muli %arg1, %mul3A : i32
    %add3A = arith.addi %mul3A_0, %arg0 : i32
    %mul3A_1 = arith.constant 256 : i32
    %mul3A_2 = arith.muli %add3A, %mul3A_1 : i32
    "tpu.region"() ({
      %run_scoped3A = tpu.sem_alloc : memref<!tpu.dma_semaphore, #tpu.memory_space<semaphore_mem>>
      %dma_start3A = tpu.memref_slice %arg2[%mul3A_2] : memref<8192xi32, #tpu.memory_space<hbm>> -> memref<256xi32, #tpu.memory_space<hbm>>
      %dma_start3A_11 = tpu.memref_slice %arg2[%mul3A_2] : memref<8192xi32, #tpu.memory_space<hbm>> -> memref<256xi32, #tpu.memory_space<hbm>>
      tpu.enqueue_dma source(%dma_start3A_11 : memref<256xi32, #tpu.memory_space<hbm>>) target(%arg5 : memref<256xi32, #tpu.memory_space<vmem>>) target_semaphore(%run_scoped3A : memref<!tpu.dma_semaphore, #tpu.memory_space<semaphore_mem>>)
      %dma_wait3A = tpu.memref_slice %arg2[%mul3A_2] : memref<8192xi32, #tpu.memory_space<hbm>> -> memref<256xi32, #tpu.memory_space<hbm>>
      %dma_wait3A_12 = tpu.memref_slice %arg2[%mul3A_2] : memref<8192xi32, #tpu.memory_space<hbm>> -> memref<256xi32, #tpu.memory_space<hbm>>
      tpu.wait_dma2 semaphore(%run_scoped3A : memref<!tpu.dma_semaphore, #tpu.memory_space<semaphore_mem>>) src(%dma_wait3A_12 : memref<256xi32, #tpu.memory_space<hbm>>) dst(%arg5 : memref<256xi32, #tpu.memory_space<vmem>>)
      tpu.yield
    }) : () -> ()
    "tpu.region"() ({
      %run_scoped3A = tpu.sem_alloc : memref<!tpu.dma_semaphore, #tpu.memory_space<semaphore_mem>>
      tpu.enqueue_dma source(%arg3 : memref<32x1024xf32, #tpu.memory_space<hbm>>) target(%arg6 : memref<32x1024xf32, #tpu.memory_space<vmem>>) target_semaphore(%run_scoped3A : memref<!tpu.dma_semaphore, #tpu.memory_space<semaphore_mem>>)
      tpu.wait_dma2 semaphore(%run_scoped3A : memref<!tpu.dma_semaphore, #tpu.memory_space<semaphore_mem>>) src(%arg3 : memref<32x1024xf32, #tpu.memory_space<hbm>>) dst(%arg6 : memref<32x1024xf32, #tpu.memory_space<vmem>>)
      tpu.yield
    }) : () -> ()
    %broadcast_in_dim3A = arith.constant 1.000000e+00 : f32
    %broadcast_in_dim3A_3 = vector.broadcast %broadcast_in_dim3A : f32 to vector<16xf32>
    %broadcast_in_dim3A_4 = arith.constant 0.000000e+00 : f32
    %broadcast_in_dim3A_5 = vector.broadcast %broadcast_in_dim3A_4 : f32 to vector<16xf32>
    %iota3A = tpu.iota {dimensions = array<i32: 0>} : vector<16xi32>
    %scan3A = arith.constant 0 : i32
    %scan3A_6 = arith.constant 0 : i32
    %scan3A_7 = arith.constant 8 : i32
    %scan3A_8 = arith.addi %scan3A_6, %scan3A_7 : i32
    %scan3A_9 = arith.constant 1 : i32
    scf.for %scan3A_11 = %scan3A_6 to %scan3A_8 step %scan3A_9  : i32 {
      %scan3A_12 = arith.constant 0 : i32
      %scan3A_13 = arith.constant 2 : i32
      %scan3A_14 = arith.addi %scan3A_12, %scan3A_13 : i32
      %scan3A_15 = arith.constant 1 : i32
      scf.for %scan3A_25 = %scan3A_12 to %scan3A_14 step %scan3A_15  : i32 {
        %mul3A_26 = arith.constant 16 : i32
        %mul3A_27 = arith.muli %scan3A_25, %mul3A_26 : i32
        %add3A_28 = vector.broadcast %mul3A_27 : i32 to vector<16xi32>
        %add3A_29 = arith.addi %iota3A, %add3A_28 : vector<16xi32>
        %mul3A_30 = arith.constant 32 : i32
        %mul3A_31 = arith.muli %scan3A_11, %mul3A_30 : i32
        %mul3A_32 = arith.constant 16 : i32
        %mul3A_33 = arith.muli %scan3A_25, %mul3A_32 : i32
        %add3A_34 = arith.addi %mul3A_31, %mul3A_33 : i32
        %get3A = arith.index_cast %add3A_34 : i32 to index
        %get3A_35 = tpu.vector_load %arg5[%get3A] {strides = array<i32>} : memref<256xi32, #tpu.memory_space<vmem>>, vector<16xi32>,
        tpu.vector_store_idx %arg6[%add3A_29, %get3A_35], %broadcast_in_dim3A_3 : memref<32x1024xf32, #tpu.memory_space<vmem>>[vector<16xi32>, vector<16xi32>], vector<16xf32>,
      }
      %scan3A_16 = arith.constant 2 : i32
      %mul3A_17 = arith.constant 32 : i32
      %mul3A_18 = arith.muli %scan3A_11, %mul3A_17 : i32
      %add3A_19 = arith.addi %mul3A_2, %mul3A_18 : i32
      "tpu.region"() ({
        %run_scoped3A = tpu.sem_alloc : memref<!tpu.dma_semaphore, #tpu.memory_space<semaphore_mem>>
        %dma_start3A = arith.constant 0 : i32
        %dma_start3A_25 = tpu.memref_slice %arg4[%add3A_19, %dma_start3A] : memref<8192x1024xf32, #tpu.memory_space<hbm>> -> memref<32x1024xf32, #tpu.memory_space<hbm>>
        %dma_start3A_26 = arith.constant 0 : i32
        %dma_start3A_27 = tpu.memref_slice %arg4[%add3A_19, %dma_start3A_26] : memref<8192x1024xf32, #tpu.memory_space<hbm>> -> memref<32x1024xf32, #tpu.memory_space<hbm>>
        tpu.enqueue_dma source(%arg6 : memref<32x1024xf32, #tpu.memory_space<vmem>>) target(%dma_start3A_27 : memref<32x1024xf32, #tpu.memory_space<hbm>>) target_semaphore(%run_scoped3A : memref<!tpu.dma_semaphore, #tpu.memory_space<semaphore_mem>>)
        %dma_wait3A = arith.constant 0 : i32
        %dma_wait3A_28 = tpu.memref_slice %arg4[%add3A_19, %dma_wait3A] : memref<8192x1024xf32, #tpu.memory_space<hbm>> -> memref<32x1024xf32, #tpu.memory_space<hbm>>
        %dma_wait3A_29 = arith.constant 0 : i32
        %dma_wait3A_30 = tpu.memref_slice %arg4[%add3A_19, %dma_wait3A_29] : memref<8192x1024xf32, #tpu.memory_space<hbm>> -> memref<32x1024xf32, #tpu.memory_space<hbm>>
        tpu.wait_dma2 semaphore(%run_scoped3A : memref<!tpu.dma_semaphore, #tpu.memory_space<semaphore_mem>>) src(%arg6 : memref<32x1024xf32, #tpu.memory_space<vmem>>) dst(%dma_wait3A_30 : memref<32x1024xf32, #tpu.memory_space<hbm>>)
        tpu.yield
      }) : () -> ()
      %scan3A_20 = arith.constant 0 : i32
      %scan3A_21 = arith.constant 2 : i32
      %scan3A_22 = arith.addi %scan3A_20, %scan3A_21 : i32
      %scan3A_23 = arith.constant 1 : i32
      scf.for %scan3A_25 = %scan3A_20 to %scan3A_22 step %scan3A_23  : i32 {
        %mul3A_26 = arith.constant 16 : i32
        %mul3A_27 = arith.muli %scan3A_25, %mul3A_26 : i32
        %add3A_28 = vector.broadcast %mul3A_27 : i32 to vector<16xi32>
        %add3A_29 = arith.addi %iota3A, %add3A_28 : vector<16xi32>
        %mul3A_30 = arith.constant 32 : i32
        %mul3A_31 = arith.muli %scan3A_11, %mul3A_30 : i32
        %mul3A_32 = arith.constant 16 : i32
        %mul3A_33 = arith.muli %scan3A_25, %mul3A_32 : i32
        %add3A_34 = arith.addi %mul3A_31, %mul3A_33 : i32
        %get3A = arith.index_cast %add3A_34 : i32 to index
        %get3A_35 = tpu.vector_load %arg5[%get3A] {strides = array<i32>} : memref<256xi32, #tpu.memory_space<vmem>>, vector<16xi32>,
        tpu.vector_store_idx %arg6[%add3A_29, %get3A_35], %broadcast_in_dim3A_5 : memref<32x1024xf32, #tpu.memory_space<vmem>>[vector<16xi32>, vector<16xi32>], vector<16xf32>,
      }
      %scan3A_24 = arith.constant 2 : i32
    }
    %scan3A_10 = arith.constant 8 : i32
    return
  }
}

module attributes {stable_mosaic.version = 14 : i64} {
  func.func @_vq_body(%arg0: i32, %arg1: memref<1x256x1024xf32, #tpu.memory_space<vmem>>, %arg2: memref<1024x256xf32, #tpu.memory_space<vmem>>, %arg3: memref<1024x1xf32, #tpu.memory_space<vmem>>, %arg4: memref<1x256x1024xf32, #tpu.memory_space<vmem>>, %arg5: memref<1x1x1024xi32, #tpu.memory_space<vmem>>) attributes {dimension_semantics = [#tpu.dimension_semantics<arbitrary>], iteration_bounds = array<i64: 8>, scalar_prefetch = 0 : i64, scratch_operands = 0 : i64, tpu.core_type = #tpu.core_type<tc>, window_params = [{transform_indices = @transform_0, window_bounds = array<i64: 1, 256, 1024>}, {pipeline_mode = #tpu.pipeline_mode<synchronous>, transform_indices = @transform_1, window_bounds = array<i64: 1024, 256>}, {pipeline_mode = #tpu.pipeline_mode<synchronous>, transform_indices = @transform_2, window_bounds = array<i64: 1024, 1>}, {transform_indices = @transform_3, window_bounds = array<i64: 1, 256, 1024>}, {transform_indices = @transform_4, window_bounds = array<i64: 1, 1, 1024>}]} {
    %get3A = arith.constant 0 : index
    %get3A_0 = arith.constant 0 : index
    %get3A_1 = arith.constant 0 : index
    %get3A_2 = vector.load %arg1[%get3A, %get3A_0, %get3A_1] : memref<1x256x1024xf32, #tpu.memory_space<vmem>>, vector<1x256x1024xf32>
    %get3A_3 = vector.shape_cast %get3A_2 : vector<1x256x1024xf32> to vector<256x1024xf32>
    %get3A_4 = arith.constant 0 : index
    %get3A_5 = arith.constant 0 : index
    %get3A_6 = vector.load %arg2[%get3A_4, %get3A_5] : memref<1024x256xf32, #tpu.memory_space<vmem>>, vector<1024x256xf32>
    %get3A_7 = arith.constant 0 : index
    %get3A_8 = arith.constant 0 : index
    %get3A_9 = vector.load %arg3[%get3A_7, %get3A_8] : memref<1024x1xf32, #tpu.memory_space<vmem>>, vector<1024x1xf32>
    %mul3A = arith.mulf %get3A_3, %get3A_3 : vector<256x1024xf32>
    %transpose3A = tpu.transpose %mul3A, [1, 0] : vector<256x1024xf32> -> vector<1024x256xf32>
    %reduce_sum3A = arith.constant dense<0.000000e+00> : vector<1024xf32>
    %reduce_sum3A_10 = vector.multi_reduction <add>, %transpose3A, %reduce_sum3A [1] : vector<1024x256xf32> to vector<1024xf32>
    %broadcast_in_dim3A = vector.shape_cast %reduce_sum3A_10 : vector<1024xf32> to vector<1024x1xf32>
    %transpose3A_11 = tpu.transpose %broadcast_in_dim3A, [1, 0] : vector<1024x1xf32> -> vector<1x1024xf32>
    %dot_general3A = arith.constant dense<0.000000e+00> : vector<1024x1024xf32>
    %dot_general3A_12 = tpu.matmul %get3A_6, %get3A_3, %dot_general3A {dimension_numbers = #tpu.dot_dimension_numbers<[1], [0], [0], [1], [0, 0, 1, 1], [], []>, transpose_lhs_hint = false} : vector<1024x256xf32>, vector<256x1024xf32>, vector<1024x1024xf32> -> vector<1024x1024xf32>
    %add3A = vector.broadcast %transpose3A_11 : vector<1x1024xf32> to vector<1024x1024xf32>
    %add3A_13 = vector.broadcast %get3A_9 : vector<1024x1xf32> to vector<1024x1024xf32>
    %add3A_14 = arith.addf %add3A, %add3A_13 : vector<1024x1024xf32>
    %mul3A_15 = arith.constant 2.000000e+00 : f32
    %mul3A_16 = vector.broadcast %mul3A_15 : f32 to vector<1024x1024xf32>
    %mul3A_17 = arith.mulf %mul3A_16, %dot_general3A_12 : vector<1024x1024xf32>
    %sub3A = arith.subf %add3A_14, %mul3A_17 : vector<1024x1024xf32>
    %reduce_min3A = arith.constant dense<0x7F800000> : vector<1024xf32>
    %reduce_min3A_18 = vector.multi_reduction <minimumf>, %sub3A, %reduce_min3A [0] : vector<1024x1024xf32> to vector<1024xf32>
    %broadcast_in_dim3A_19 = vector.shape_cast %reduce_min3A_18 : vector<1024xf32> to vector<1x1024xf32>
    %iota3A = tpu.iota {dimensions = array<i32: 0>} : vector<1024x1024xi32>
    %eq3A = vector.broadcast %broadcast_in_dim3A_19 : vector<1x1024xf32> to vector<1024x1024xf32>
    %eq3A_20 = arith.cmpf oeq, %sub3A, %eq3A : vector<1024x1024xf32>
    %jit3A = arith.constant 1024 : i32
    %broadcast_in_dim3A_21 = vector.broadcast %jit3A : i32 to vector<1024x1024xi32>
    %select_n3A = arith.select %eq3A_20, %iota3A, %broadcast_in_dim3A_21 : vector<1024x1024xi1>, vector<1024x1024xi32>
    %reduce_min3A_22 = arith.constant dense<2147483647> : vector<1024xi32>
    %reduce_min3A_23 = vector.multi_reduction <minsi>, %select_n3A, %reduce_min3A_22 [0] : vector<1024x1024xi32> to vector<1024xi32>
    %swap3A = arith.constant 0 : index
    %swap3A_24 = arith.constant 0 : index
    %swap3A_25 = arith.constant 0 : index
    %swap3A_26 = vector.load %arg5[%swap3A, %swap3A_24, %swap3A_25] : memref<1x1x1024xi32, #tpu.memory_space<vmem>>, vector<1x1x1024xi32>
    %swap3A_27 = vector.shape_cast %swap3A_26 : vector<1x1x1024xi32> to vector<1024xi32>
    %swap3A_28 = vector.shape_cast %reduce_min3A_23 : vector<1024xi32> to vector<1x1x1024xi32>
    tpu.vector_store %arg5[%swap3A, %swap3A_24, %swap3A_25], %swap3A_28 {strides = array<i32>} : memref<1x1x1024xi32, #tpu.memory_space<vmem>>, vector<1x1x1024xi32>,
    %iota3A_29 = tpu.iota {dimensions = array<i32: 1>} : vector<1024x1024xi32>
    %broadcast_in_dim3A_30 = vector.shape_cast %reduce_min3A_23 : vector<1024xi32> to vector<1024x1xi32>
    %eq3A_31 = vector.broadcast %broadcast_in_dim3A_30 : vector<1024x1xi32> to vector<1024x1024xi32>
    %eq3A_32 = arith.cmpi eq, %iota3A_29, %eq3A_31 : vector<1024x1024xi32>
    %convert_element_type3A = arith.extui %eq3A_32 : vector<1024x1024xi1> to vector<1024x1024xi32>
    %convert_element_type3A_33 = arith.sitofp %convert_element_type3A : vector<1024x1024xi32> to vector<1024x1024xf32>
    %dot_general3A_34 = arith.constant dense<0.000000e+00> : vector<256x1024xf32>
    %dot_general3A_35 = tpu.matmul %get3A_6, %convert_element_type3A_33, %dot_general3A_34 {dimension_numbers = #tpu.dot_dimension_numbers<[0], [1], [1], [0], [0, 1, 1, 0], [], []>, transpose_lhs_hint = false} : vector<1024x256xf32>, vector<1024x1024xf32>, vector<256x1024xf32> -> vector<256x1024xf32>
    %swap3A_36 = arith.constant 0 : index
    %swap3A_37 = arith.constant 0 : index
    %swap3A_38 = arith.constant 0 : index
    %swap3A_39 = vector.load %arg4[%swap3A_36, %swap3A_37, %swap3A_38] : memref<1x256x1024xf32, #tpu.memory_space<vmem>>, vector<1x256x1024xf32>
    %swap3A_40 = vector.shape_cast %swap3A_39 : vector<1x256x1024xf32> to vector<256x1024xf32>
    %swap3A_41 = vector.shape_cast %dot_general3A_35 : vector<256x1024xf32> to vector<1x256x1024xf32>
    tpu.vector_store %arg4[%swap3A_36, %swap3A_37, %swap3A_38], %swap3A_41 {strides = array<i32>} : memref<1x256x1024xf32, #tpu.memory_space<vmem>>, vector<1x256x1024xf32>,
    return
  }
  func.func @transform_0(%arg0: i32) -> (i32, i32, i32) {
    %c0_i32 = arith.constant 0 : i32
    %c0_i32_0 = arith.constant 0 : i32
    %c0_i32_1 = arith.constant 0 : i32
    return %arg0, %c0_i32, %c0_i32_0 : i32, i32, i32
  }
  func.func @transform_1(%arg0: i32) -> (i32, i32) {
    %c0_i32 = arith.constant 0 : i32
    %c0_i32_0 = arith.constant 0 : i32
    %c0_i32_1 = arith.constant 0 : i32
    return %c0_i32, %c0_i32_0 : i32, i32
  }
  func.func @transform_2(%arg0: i32) -> (i32, i32) {
    %c0_i32 = arith.constant 0 : i32
    %c0_i32_0 = arith.constant 0 : i32
    %c0_i32_1 = arith.constant 0 : i32
    return %c0_i32, %c0_i32_0 : i32, i32
  }
  func.func @transform_3(%arg0: i32) -> (i32, i32, i32) {
    %c0_i32 = arith.constant 0 : i32
    %c0_i32_0 = arith.constant 0 : i32
    %c0_i32_1 = arith.constant 0 : i32
    return %arg0, %c0_i32, %c0_i32_0 : i32, i32, i32
  }
  func.func @transform_4(%arg0: i32) -> (i32, i32, i32) {
    %c0_i32 = arith.constant 0 : i32
    %c0_i32_0 = arith.constant 0 : i32
    %c0_i32_1 = arith.constant 0 : i32
    return %arg0, %c0_i32, %c0_i32_0 : i32, i32, i32
  }
}

</mosaic_0001>

<sc_bundles>
// kernel: kernel.4.cloned.1.call-start
scs
__scs_entry_jumppad:
0x0: {  	(pc) =	sbr.rel $0x88, $3  }
0x1: {  	(tag) =	ssettag $0x0;
	lr =	simm.s32 $0x1  }
0x2: {  	[smem:$0x3F9F] =	sst lr;
	_ =	strace $0xD0000000  }
0x3: {  	_ = 	snop  }
0x4: {  	_ = 	snop  }
0x5: {  	_ = 	snop  }
0x6: {  	_ = 	snop  }
0x7: {  	_ = 	snop  }
__scs_overlays_trampoline_lowered:
0x8: {  	[smem:$0x3FAE] =	sst s0  }
0x9: {  	[smem:$0x3FAF] =	sst s1  }
0xa: {  	[smem:$0x3FB0] =	sst s2  }
0xb: {  	[smem:$0x3FB1] =	sst s3  }
0xc: {  	[smem:$0x3FB2] =	sst s4  }
0xd: {  	[smem:$0x3FB3] =	sst s5  }
0xe: {  	[smem:$0x3FB4] =	sst s6  }
0xf: {  	[smem:$0x3FB5] =	sst s7  }
0x10: {  	[smem:$0x3FB6] =	sst s8  }
0x11: {  	[smem:$0x3FB7] =	sst s9;
	s0 =	simm.s32 @!p0 $0x0  }
0x12: {  	s1 =	sld [smem:$0x3F9D];
	s0 =	simm.s32 @p0 $0x1  }
0x13: {  	[smem:$0x3FB8] =	sst s0;
	s0 =	simm.s32 @!p1 $0x0  }
0x14: {  	s2 =	sld [smem:$0x3F9C];
	s0 =	simm.s32 @p1 $0x1  }
0x15: {  	[smem:$0x3FB9] =	sst s0;
	s0 =	simm.s32 @!p2 $0x0  }
0x16: {  	s3 =	sld [smem:$0x3FDB];
	s0 =	simm.s32 @p2 $0x1  }
0x17: {  	s4 =	simm.s32 $0x1BF5;
	[smem:$0x3FBB] =	sst s0  }
0x18: {  	s0 =	sld [smem:$0x3F9E];
	_ =	swait.ge [sflag:s4], $0x0  }
0x19: {  	s7 =	sld [smem:$0x3F9F]  }
0x1a: {  	s8 =	sadd.s32 $0xFFFFE003, lr  }
0x1b: {  	s9 =	sadd.s32 $0xFFFFFEF7, lr;
	s5 =	simm.s32 $0xFFFFFFFF;
	p2 =	slt.u32 s8, $0xFFFFF086  }
0x1c: {  	p1 =	slt.u32 s9, $0xF7A;
	s5 =	simm.s32 @!p2 $0x0  }
0x1d: {  	s5 =	simm.s32 @p1 $0x1;
	p0 =	seq.s32 s7, s2  }
0x1e: {  	s7 =	smul.u32 @!p0 $0xF7A, s2;
	p2 =	seq.s32 @!p0 s5, $0x0  }
0x1f: {  	s9 =	smul.u32 $0xF7A, s1;
	s8 =	simm.s32 @!p0 $0x1BF5;
	p2 =	por !p2, p0  }
0x20: {  	[sflag:s8] =	ssyncset.s32 @!p0 $0xFFFFF086;
	s6 =	sadd.s32 @!p0 s3, s7;
	s7 =	simm.s32 @!p0 $0x108  }
0x21: {  	s3 =	sadd.s32 s3, s9;
	s6 =	sadd.s32 @!p0 $0x88, s6;
	s7 =	simm.s32 @p2 $0x1082  }
0x22: {  	[simem:s7], [sflag:s8] =	dma.local @!p0 [hbm:s6], $0xF7A  }
0x23: {  	s9 =	sor.u32 $0xD0000000, s2;
	s6 =	simm.s32 $0x108;
	_ =	swait.ge @!p0 [sflag:s8], $0x0  }
0x24: {  	s3 =	sadd.s32 $0x88, s3;
	s6 =	simm.s32 @!p1 $0x1082;
	[sflag:s4] =	ssyncset.s32 $0xFFFFF086  }
0x25: {  	[simem:s6], [sflag:s4] =	dma.local [hbm:s3], $0xF7A  }
0x26: {  	[smem:$0x3F9F] =	sst s1;
	(tag) =	ssettag s2;
	_ =	strace s9  }
0x27: {  	s1 =	sld [smem:$0x3FAF]  }
0x28: {  	s2 =	sld [smem:$0x3FB0]  }
0x29: {  	s4 =	sld [smem:$0x3FB2]  }
0x2a: {  	p0 =	seq.s32 s5, $0x0;
	s5 =	sld [smem:$0x3FB3]  }
0x2b: {  	s6 =	sld [smem:$0x3FB4]  }
0x2c: {  	s7 =	sld [smem:$0x3FB5]  }
0x2d: {  	s3 =	simm.s32 $0x108;
	s8 =	sld [smem:$0x3FB6]  }
0x2e: {  	s3 =	simm.s32 @!p0 $0x1082;
	s9 =	sld [smem:$0x3FB7]  }
0x2f: {  	lr =	sadd.s32 s0, s3;
	s0 =	sld [smem:$0x3FAE]  }
0x30: {  	s3 =	sld [smem:$0x3FB1]  }
0x31: {  	[smem:$0x3FBA] =	sst s10  }
0x32: {  	s10 =	sld [smem:$0x3FB8];
	_ =	sdelay $0x3  }
0x33: {  	p0 =	seq.s32 s10, $0x1;
	s10 =	sld [smem:$0x3FBA];
	_ =	sdelay $0x3  }
0x34: {  	[smem:$0x3FBA] =	sst s10  }
0x35: {  	s10 =	sld [smem:$0x3FB9];
	_ =	sdelay $0x3  }
0x36: {  	p1 =	seq.s32 s10, $0x1;
	s10 =	sld [smem:$0x3FBA];
	_ =	sdelay $0x3  }
0x37: {  	[smem:$0x3FBA] =	sst s10  }
0x38: {  	s10 =	sld [smem:$0x3FBB]  }
0x39: {  	_ = 	snop;
	(pc) =	sbr.ind lr, $3  }
0x3a: {  	_ = 	snop  }
0x3b: {  	_ = 	snop  }
0x3c: {  	p2 =	seq.s32 s10, $0x1;
	s10 =	sld [smem:$0x3FBA]  }
0x3d: {  	_ =	shalt  }
0x3e: {  	_ =	shalt  }
0x3f: {  	_ =	shalt  }
0x40: {  	_ =	shalt  }
0x41: {  	_ =	shalt  }
0x42: {  	_ =	shalt  }
0x43: {  	_ =	shalt  }
0x44: {  	_ =	shalt  }
0x45: {  	_ =	shalt  }
0x46: {  	_ =	shalt  }
0x47: {  	_ =	shalt  }
0x48: {  	_ =	shalt  }
0x49: {  	_ =	shalt  }
0x4a: {  	_ =	shalt  }
0x4b: {  	_ =	shalt  }
0x4c: {  	_ =	shalt  }
0x4d: {  	_ =	shalt  }
0x4e: {  	_ =	shalt  }
0x4f: {  	_ =	shalt  }
0x50: {  	_ =	shalt  }
0x51: {  	_ =	shalt  }
0x52: {  	_ =	shalt  }
0x53: {  	_ =	shalt  }
0x54: {  	_ =	shalt  }
0x55: {  	_ =	shalt  }
0x56: {  	_ =	shalt  }
0x57: {  	_ =	shalt  }
0x58: {  	_ =	shalt  }
0x59: {  	_ =	shalt  }
0x5a: {  	_ =	shalt  }
0x5b: {  	_ =	shalt  }
0x5c: {  	_ =	shalt  }
0x5d: {  	_ =	shalt  }
0x5e: {  	_ =	shalt  }
0x5f: {  	_ =	shalt  }
0x60: {  	_ =	shalt  }
0x61: {  	_ =	shalt  }
0x62: {  	_ =	shalt  }
0x63: {  	_ =	shalt  }
0x64: {  	_ =	shalt  }
0x65: {  	_ =	shalt  }
0x66: {  	_ =	shalt  }
0x67: {  	_ =	shalt  }
0x68: {  	_ =	shalt  }
0x69: {  	_ =	shalt  }
0x6a: {  	_ =	shalt  }
0x6b: {  	_ =	shalt  }
0x6c: {  	_ =	shalt  }
0x6d: {  	_ =	shalt  }
0x6e: {  	_ =	shalt  }
0x6f: {  	_ =	shalt  }
0x70: {  	_ =	shalt  }
0x71: {  	_ =	shalt  }
0x72: {  	_ =	shalt  }
0x73: {  	_ =	shalt  }
0x74: {  	_ =	shalt  }
0x75: {  	_ =	shalt  }
0x76: {  	_ =	shalt  }
0x77: {  	_ =	shalt  }
0x78: {  	_ =	shalt  }
0x79: {  	_ =	shalt  }
0x7a: {  	_ =	shalt  }
0x7b: {  	_ =	shalt  }
0x7c: {  	_ =	shalt  }
0x7d: {  	_ =	shalt  }
0x7e: {  	_ =	shalt  }
0x7f: {  	_ =	shalt  }
0x80: {  	_ =	shalt  }
0x81: {  	_ =	shalt  }
0x82: {  	_ =	shalt  }
0x83: {  	_ =	shalt  }
0x84: {  	_ =	shalt  }
0x85: {  	_ =	shalt  }
0x86: {  	_ =	shalt  }
0x87: {  	_ =	shalt  }
.Lfunc_end0:
.L_simem_size_0:
called_computation_lowered:
.L_overlay_start_0:
0x88: {  	s2 =	sld [smem:$0x3FD9]  }
0x89: {  	s3 =	sld [smem:$0x3FFE];
	_ =	sdelay $0x1  }
0x8a: {  	s1 =	srdreg.scid  }
0x8b: {  	s0 =	sand.u32 $0x1, s1  }
0x8c: {  	s14 =	sshll.u32 s0, $0xA;
	s2 =	sadd.s32 s3, s2  }
0x8d: {  	s2 =	sadd.s32 s2, s14  }
0x8e: {  	[smem:$0x3FC6] =	sst s2  }
0x8f: {  	_ = 	snop  }
0x90: {  	s2 =	sld [smem:$0x3FD0];
	_ =	sdelay $0x2  }
0x91: {  	s15 =	simm.s32 $0xA;
	s4 =	simm.s32 $0x10  }
0x92: {  	[smem:s4], [sflag:s15] =	dma.local [hbm:s2], $0x1  }
0x93: {  	_ =	swait.eq [sflag:s15], $0x1  }
0x94: {  	[sflag:s15] =	ssyncset.done $0x0  }
0x95: {  	s16 =	sld [smem:$0x11];
	[sflag:s15] =	ssyncadd.s32 $0xFFFFFFFF  }
0x96: {  	s17 =	sld [smem:$0x12];
	(tm) =	ssettm $0x1  }
0x97: {  	s18 =	sld [smem:$0x3FFB];
	_ =	sdelay $0x3  }
0x98: {  	_ =	strace s18  }
0x99: {  	s4 =	sld [smem:$0x3FFC];
	_ =	sdelay $0x3  }
0x9a: {  	_ =	strace s4  }
0x9b: {  	s4 =	sld [smem:$0x3FFD];
	_ =	sdelay $0x3  }
0x9c: {  	_ =	strace s4  }
0x9d: {  	_ =	strace $0x8FFFFFFF  }
0x9e: {  	s19 =	sld [smem:$0x3FDB];
	_ =	sdelay $0x1  }
0x9f: {  	s5 =	simm.s32 $_scs_section_size  }
0xa0: {  	s6 =	simm.s32 $_size__tile_overlayer_lowered;
	s7 =	simm.s32 $_tile_overlayer_lowered  }
0xa1: {  	s22 =	simm.s32 $0x1BFF;
	s21 =	sshll.u32 s7, $0x1;
	s4 =	sadd.s32 s5, s19  }
0xa2: {  	s8 =	simm.s32 $0x0;
	s20 =	sshll.u32 s6, $0x1;
	s6 =	sadd.s32 s21, s4  }
0xa3: {  	[timem:s8], [sflag:s22] =	dma.local [hbm:s6], s20  }
0xa4: {  	_ =	swait.ge [sflag:s22], s20  }
0xa5: {  	s5 =	ssub.s32 $0x0, s20;
	[sflag:s22] =	ssyncset.done $0x0  }
0xa6: {  	[sflag:s22] =	ssyncadd.s32 s5;
	_ =	sdelay $0x1  }
0xa7: {  	s23 =	simm.s32 $0x1B8B  }
0xa8: {  	_ =	swait.ge [sflag:s23], $0x1  }
0xa9: {  	[sflag:s23] =	ssyncset.done $0x0  }
0xaa: {  	s25 =	simm.s32 $0x1B8E;
	s24 =	sld [smem:$0x3FFE];
	[sflag:s23] =	ssyncadd.s32 $0xFFFFFFFF  }
0xab: {  	s26 =	simm.s32 $execute0_lowered;
	[smem:$0x3FD2] =	sst s25  }
0xac: {  	s6 =	sshll.u32 s26, $0x1;
	_ =	strace $0x80000046;
	[dreg:$0x1] =	wrdreg $0xFFFFFFFF  }
0xad: {  	s28 =	simm.s32 $_size_execute0_lowered;
	s4 =	sadd.s32 s4, s6;
	[dreg:$0x0] =	wrdreg $0x0  }
0xae: {  	s6 =	sshll.u32 s28, $0x1;
	[dreg:$0x2] =	wrdreg s4  }
0xaf: {  	[dreg:$0x3] =	wrdreg s6  }
0xb0: {  	[dreg:$0x4] =	wrdreg $0xC0  }
0xb1: {  	_ =	task [dreg:s8], $0x5FFFF  }
0xb2: {  	[dreg:$0x1] =	wrdreg $0xFFFFFFFF  }
0xb3: {  	[dreg:$0x0] =	wrdreg $0x60  }
0xb4: {  	[dreg:$0x2] =	wrdreg s17  }
0xb5: {  	[dreg:$0x3] =	wrdreg s24  }
0xb6: {  	[dreg:$0x4] =	wrdreg s16  }
0xb7: {  	[dreg:$0x5] =	wrdreg $0x9  }
0xb8: {  	_ =	task.clear_ibuf [dreg:s8], $0x6FFFF;
	_ =	strace $0x90000046  }
0xb9: {  	s29 =	simm.s32 $0x9;
	_ =	strace $0x80000048  }
0xba: {  	_ =	swait.ge [sflag:s29], $0x1  }
0xbb: {  	[sflag:s29] =	ssyncadd.s32 $0xFFFFFFFF  }
0xbc: {  	_ =	strace $0x90000048  }
0xbd: {  	_ =	sfence  }
0xbe: {  	s30 =	sld [smem:$0x0];
	_ =	sdelay $0x2  }
0xbf: {  	s31 =	sshll.u32 s1, $0xD;
	s1 =	sshrl.u32 s1, $0x2  }
0xc0: {  	s3 =	sand.u32 $0x4000, s31;
	s1 =	sadd.s32 s1, s30  }
0xc1: {  	s0 =	sor.u32 s3, s0;
	s1 =	sshll.u32 s1, $0x11  }
0xc2: {  	s0 =	sor.u32 s1, s0  }
0xc3: {  	s0 =	sadd.s32 $0x8F2B, s0  }
0xc4: {  	[sflag:s0] =	ssyncadd.remote.s32 $0x1  }
0xc5: {  	_ =	sfence.sel $0xFFFF  }
0xc6: {  	[dreg:$0x0] =	wrdreg $0xFFFFFFFF;
	(pc) =	sbr.abs _section_cstart, $3  }
0xc7: {  	[dreg:$0x1] =	wrdreg $0xFFFFFFFF  }
0xc8: {  	_ =	task.clear_ibuf [dreg:s8], $0x2FFFF;
	_ =	strace $0x9FFFFFFF  }
0xc9: {  	(tm) =	ssettm $0x7FFFFFFF  }
tec
execute0_lowered:
.L_overlay_start_1:
0x0: {  	(tag) =	ssettag $0x1  }
0x1: {  	vm0 =	vcmask $0x300  }
0x2: {  	v0 =	vimm.s32 $0x2380;
	vm1 =	vcmask $0x704;
	v1 =	vimm.s32 $0x6380  }
0x3: {  	vm2 =	vcmask $0xB08;
	v0 =	vsel vm0, $0x0, v0;
	v1 =	vsel vm0, $0x4000, v1  }
0x4: {  	vm4 =	vcmask $0xF0C;
	v0 =	vsel vm1, $0x80, v0;
	v1 =	vsel vm1, $0x4080, v1  }
0x5: {  	vm5 =	vcmask $0x1310;
	v0 =	vsel vm2, $0x100, v0;
	v1 =	vsel vm2, $0x4100, v1  }
0x6: {  	vm6 =	vcmask $0x1714;
	v0 =	vsel vm4, $0x180, v0;
	v1 =	vsel vm4, $0x4180, v1  }
0x7: {  	s4 =	rddreg [dreg:$0x0];
	vm7 =	vcmask $0x1B18;
	v0 =	vsel vm5, $0x200, v0;
	v1 =	vsel vm5, $0x4200, v1  }
0x8: {  	s3 =	rddreg [dreg:$0x1];
	vm8 =	vcmask $0x1F1C;
	v0 =	vsel vm6, $0x280, v0;
	v1 =	vsel vm6, $0x4280, v1  }
0x9: {  	s5 =	rddreg [dreg:$0x2];
	vm9 =	vcmask $0x2320;
	v0 =	vsel vm7, $0x300, v0;
	v1 =	vsel vm7, $0x4300, v1  }
0xa: {  	s2 =	srdreg.scid;
	s0 =	rddreg [dreg:$0x3];
	s1 =	simm.s32 $0x0;
	vm10 =	vcmask $0x2724;
	v0 =	vsel vm8, $0x380, v0;
	v1 =	vsel vm8, $0x4380, v1  }
0xb: {  	vm11 =	vcmask $0x2B28;
	s6 =	sand.u32 $0x1, s2;
	[smem:$0x7FF] =	sst s1;
	s2 =	stileid.u32;
	v0 =	vsel vm9, $0x2000, v0;
	v1 =	vsel vm9, $0x6000, v1  }
0xc: {  	vm12 =	vcmask $0x2F2C;
	s3 =	sadd.s32 $0x400, s3;
	s7 =	ssub.s32 $0x2, s6;
	_ =	strace $0x80000047;
	v0 =	vsel vm10, $0x2080, v0;
	v1 =	vsel vm10, $0x6080, v1  }
0xd: {  	vm13 =	vcmask $0x3330;
	s30 =	sshll.u32 s2, $0x9;
	s9 =	sshll.u32 s6, $0x8;
	s8 =	sshrl.u32 s7, $0x1;
	v0 =	vsel vm11, $0x2100, v0;
	v1 =	vsel vm11, $0x6100, v1  }
0xe: {  	vm14 =	vcmask $0x3734;
	s31 =	sshll.u32 s2, $0x10;
	s7 =	ssub.s32 s7, s8;
	s8 =	sor.u32 s9, s30;
	v0 =	vsel vm12, $0x2180, v0;
	v1 =	vsel vm12, $0x6180, v1  }
0xf: {  	vm15 =	vcmask $0x3B38;
	s6 =	sshll.u32 s6, $0xF;
	s9 =	sadd.s32 s31, s5;
	s8 =	sshrl.u32 s8, $0x3;
	v0 =	vsel vm13, $0x2200, v0;
	v1 =	vsel vm13, $0x6200, v1  }
0x10: {  	v3 =	vimm.f32 $0.0e+00;
	s5 =	smax.u32 s7, $0x1;
	s6 =	sadd.s32 s6, s9;
	s7 =	simm.s32 $0x1;
	v0 =	vsel vm14, $0x2280, v0;
	v2 =	vsel vm14, $0x6280, v1  }
0x11: {  	s9 =	simm.s32 $0x0;
	s4 =	sadd.s32 s4, s8;
	s8 =	simm.s32 $0x100;
	v1 =	vimm.f32 $1.000000000e+00;
	v0 =	vsel vm15, $0x2300, v0;
	v2 =	vsel vm15, $0x6300, v2  }
.LBB2_1:
0x12: {  	[tilespmem:s1], [sflag:$0x1] =	stream.linear.gather [hbm4b:s4+s1], $0x100, $0x38;
	[tilespmem:$0x8100] =	vst v63  }
0x13: {  	_ =	swait.ge [sflag:s7], $0x100  }
0x14: {  	[sflag:s7] =	ssyncset.done $0x0  }
0x15: {  	[sflag:s7] =	ssyncadd.s32 $0xFFFFFF00  }
0x16: {  	[tilespmem:s8], [sflag:$0x1] =	stream.linear.gather [hbm4b:s3+s1], $0x8000, $0x38;
	[tilespmem:$0x8100] =	vst v63  }
0x17: {  	_ =	swait.ge [sflag:s7], $0x8000  }
0x18: {  	[sflag:s7] =	ssyncset.done $0x0  }
0x19: {  	s10 =	smov.u32 s6;
	s11 =	simm.s32 $0x0;
	[sflag:s7] =	ssyncadd.s32 $0xFFFF8000  }
.LBB2_2:
0x1a: {  	s12 =	sshra.s32 s11, $0x2  }
0x1b: {  	v4 =	vld [tilespmem:s12+$0x0];
	_ =	sdelay $0x4  }
0x1c: {  	v5 =	vshll.u32 v4, $0x3  }
0x1d: {  	v4 =	vand.u32 $0x7F, v4;
	v5 =	vand.u32 $0xFFFFFC00, v5  }
0x1e: {  	v4 =	vor.u32 v4, v5  }
0x1f: {  	v4 =	vadd.s32 v0, v4;
	_ =	sdelay $0x4  }
0x20: {  	[tilespmem:v4+s8+$0x0] =	vst.idx.msk $0xffff, v1  }
0x21: {  	v4 =	vld [tilespmem:s12+$0x10];
	_ =	sdelay $0x4  }
0x22: {  	v5 =	vshll.u32 v4, $0x3  }
0x23: {  	v4 =	vand.u32 $0x7F, v4;
	v5 =	vand.u32 $0xFFFFFC00, v5  }
0x24: {  	v4 =	vor.u32 v4, v5  }
0x25: {  	v4 =	vadd.s32 v2, v4;
	_ =	sdelay $0x4  }
0x26: {  	[tilespmem:v4+s8+$0x0] =	vst.idx.msk $0xffff, v1  }
0x27: {  	[hbm4b:s10+s1] =	stream.linear.scatter [tilespmem:s8], [sflag:$0x1], $0x8000, $0x38;
	[tilespmem:$0x8100] =	vst v63  }
0x28: {  	_ =	swait.ge [sflag:s7], $0x8000  }
0x29: {  	[sflag:s7] =	ssyncset.done $0x0  }
0x2a: {  	[sflag:s7] =	ssyncadd.s32 $0xFFFF8000  }
0x2b: {  	v4 =	vld [tilespmem:s12+$0x0];
	_ =	sdelay $0x4  }
0x2c: {  	v5 =	vshll.u32 v4, $0x3  }
0x2d: {  	v4 =	vand.u32 $0x7F, v4;
	v5 =	vand.u32 $0xFFFFFC00, v5  }
0x2e: {  	v4 =	vor.u32 v4, v5  }
0x2f: {  	v4 =	vadd.s32 v0, v4;
	_ =	sdelay $0x4  }
0x30: {  	[tilespmem:v4+s8+$0x0] =	vst.idx.msk $0xffff, v3  }
0x31: {  	v4 =	vld [tilespmem:s12+$0x10];
	_ =	sdelay $0x4  }
0x32: {  	v5 =	vshll.u32 v4, $0x3  }
0x33: {  	v4 =	vand.u32 $0x7F, v4;
	v5 =	vand.u32 $0xFFFFFC00, v5  }
0x34: {  	v4 =	vor.u32 v4, v5  }
0x35: {  	p0 =	sne.s32 s11, $0x380;
	v4 =	vadd.s32 v2, v4  }
.Ltmp0:
0x36: {  	_ = 	snop;
	(pc) =	sbr.rel @p0 .LBB2_2-.Ltmp0, $2  }
0x37: {  	_ =	sdelay $0x2  }
0x38: {  	s11 =	sadd.s32 $0x80, s11;
	s10 =	sadd.s32 $0x1000, s10;
	[tilespmem:v4+s8+$0x0] =	vst.idx.msk $0xffff, v3  }
0x39: {  	s9 =	sadd.s32 $0x1, s9  }
0x3a: {  	p0 =	sne.s32 s9, s5  }
.Ltmp1:
0x3b: {  	_ = 	snop;
	(pc) =	sbr.rel @p0 .LBB2_1-.Ltmp1, $1  }
0x3c: {  	_ =	sdelay $0x3  }
0x3d: {  	_ =	sfence.sel $0x180000  }
0x3e: {  	[bflag:$0x0] =	sbarrier.arrive $0xFFFF  }
0x3f: {  	p0 =	sne.s32 s2, $0x0;
	_ =	strace $0x90000047  }
0x40: {  	s0 =	sadd.s32 @!p0 $0x100000, s0;
	[bflag:$0x2] =	sbarrier.arrive $0xFFFF  }
0x41: {  	[sflag:s0] =	ssyncadd.tile.s32 @!p0 $0x1;
	_ =	shalt  }
.Lfunc_end2:
_tile_overlayer_lowered:
.L_overlay_start_2:
0x42: {  	(tag) =	ssettag $0x2  }
0x43: {  	s0 =	rddreg [dreg:$0x0];
	s2 =	stileid.u32  }
0x44: {  	s1 =	rddreg [dreg:$0x1];
	p0 =	sne.s32 s2, $0x0  }
0x45: {  	s3 =	rddreg [dreg:$0x2];
	[bflag:$0x3] =	sbarrier.arrive $0xFFFF;
	s2 =	simm.s32 @!p0 $0x1C01  }
0x46: {  	[timem:s3], [sflag:s2] =	dma.local @!p0 [hbm:s0], s1  }
0x47: {  	s0 =	simm.s32 @!p0 $0x1  }
0x48: {  	_ =	swait.ge @!p0 [sflag:s0], s1  }
0x49: {  	s1 =	ssub.s32 @!p0 $0x0, s1;
	[sflag:s0] =	ssyncset.done @!p0 $0x0  }
0x4a: {  	[sflag:s0] =	ssyncadd.s32 @!p0 s1  }
0x4b: {  	[bflag:$0x3] =	sbarrier.arrive $0xFFFF  }
0x4c: {  	_ =	shalt  }

</sc_bundles>
